<compile_context>
chip_gen: v7x
topology: tpu7x:2x2x1
jax: 0.10.2.dev20260603
libtpu: 0.0.44.dev20260713+nightly
codegen_flags: <defaults>
</compile_context>

<pallas_src>
import functools

import jax
import jax.numpy as jnp
from jax import lax
from jax.experimental import pallas as pl
from jax.experimental.pallas import tpu as pltpu
from jax.experimental.pallas import tpu_sc as plsc

NUM_EMBEDDINGS = 1024
EMBEDDING_DIM = 32
BETA = 0.25
N = 65536
BLOCK = 2048
GRID = N // BLOCK

NW = 32
ROWS_PER_W = N // NW
CH = 128
NCH = ROWS_PER_W // CH
SCH = 256


def _argmin_kernel(z_ref, w_ref, onehot_ref, idx_ref, counts_ref):
    z = z_ref[...]
    w = w_ref[...]

    zn = jnp.sum(z * z, axis=1, keepdims=True)
    wn = jnp.sum(w * w, axis=1)
    s = jnp.dot((z * -2.0).astype(jnp.bfloat16), w.astype(jnp.bfloat16).T,
                preferred_element_type=jnp.float32)
    dist = (zn + wn) + s

    iota = jax.lax.broadcasted_iota(
        jnp.int32, (BLOCK, NUM_EMBEDDINGS), 1).astype(jnp.float32)
    minval = jnp.min(dist, axis=1, keepdims=True)
    idxf = jnp.min(jnp.where(dist == minval, iota, float(NUM_EMBEDDINGS)),
                   axis=1, keepdims=True)
    onehot = (iota == idxf).astype(jnp.float32)
    onehot_ref[...] = onehot
    idx_ref[...] = idxf.astype(jnp.int32)
    ones_row = jnp.ones((1, BLOCK), dtype=jnp.bfloat16)
    counts_ref[...] = jnp.dot(ones_row, onehot.astype(jnp.bfloat16),
                              preferred_element_type=jnp.float32)[None]


def _bf16_round(x):
    c = x * 65537.0
    return c - (c - x)


def _sc_lookup_kernel(z_hbm, w_hbm, idx_hbm, zq_hbm, loss_hbm,
                      idx_v, zrows, grows, loss_v, sem):
    wid = lax.axis_index("s") * 2 + lax.axis_index("c")
    base_w = wid * ROWS_PER_W
    pltpu.sync_copy(idx_hbm.at[pl.ds(base_w, ROWS_PER_W)], idx_v)

    def chunk_body(c, acc):
        base = base_w + c * SCH
        copies = [
            pltpu.async_copy(
                w_hbm.at[idx_v.at[pl.ds(c * SCH + g * CH, CH)]],
                grows.at[pl.ds(g * CH, CH)], sem)
            for g in range(SCH // CH)
        ]
        pltpu.sync_copy(z_hbm.at[pl.ds(base, SCH)], zrows)
        for cp in copies:
            cp.wait()

        def row_body(r, a):
            for h in range(2):
                wv = grows[r, pl.ds(h * 16, 16)]
                zv = zrows[r, pl.ds(h * 16, 16)]
                zq = _bf16_round(wv)
                d = zq - zv
                zrows[r, pl.ds(h * 16, 16)] = zv + d
                a = a + d * d
            return a
        acc = plsc.parallel_loop(0, SCH, unroll=8, carry=acc)(row_body)

        pltpu.sync_copy(zrows, zq_hbm.at[pl.ds(base, SCH)])
        return acc

    loss_acc = lax.fori_loop(0, ROWS_PER_W // SCH, chunk_body,
                             jnp.zeros((16,), jnp.float32))
    loss_v[...] = loss_acc
    pltpu.sync_copy(loss_v, loss_hbm.at[wid])


def _finish_kernel(counts_ref, loss_ref, out_loss_ref, out_perp_ref):
    counts = jnp.sum(counts_ref[...], axis=0)
    e_mean = counts / float(N)
    out_perp_ref[...] = jnp.exp(
        -jnp.sum(e_mean * jnp.log(e_mean + 1e-10)))[None, None]
    loss_sum = jnp.sum(loss_ref[...])
    out_loss_ref[...] = (loss_sum * ((1.0 + BETA) / float(N * EMBEDDING_DIM))
                         )[None, None]


def kernel(z, W):
    onehot, idx, counts_p = pl.pallas_call(
        _argmin_kernel,
        grid=(GRID,),
        in_specs=[
            pl.BlockSpec((BLOCK, EMBEDDING_DIM), lambda i: (i, 0)),
            pl.BlockSpec((NUM_EMBEDDINGS, EMBEDDING_DIM), lambda i: (0, 0)),
        ],
        out_specs=(
            pl.BlockSpec((BLOCK, NUM_EMBEDDINGS), lambda i: (i, 0)),
            pl.BlockSpec((BLOCK, 1), lambda i: (i, 0)),
            pl.BlockSpec((1, 1, NUM_EMBEDDINGS), lambda i: (i, 0, 0)),
        ),
        out_shape=(
            jax.ShapeDtypeStruct((N, NUM_EMBEDDINGS), jnp.float32),
            jax.ShapeDtypeStruct((N, 1), jnp.int32),
            jax.ShapeDtypeStruct((GRID, 1, NUM_EMBEDDINGS), jnp.float32),
        ),
        compiler_params=pltpu.CompilerParams(
            dimension_semantics=("parallel",),
        ),
    )(z, W)

    sc = functools.partial(
        pl.kernel,
        out_type=(
            jax.ShapeDtypeStruct((N, EMBEDDING_DIM), jnp.float32),
            jax.ShapeDtypeStruct((NW, 16), jnp.float32),
        ),
        mesh=plsc.VectorSubcoreMesh(core_axis_name="c", subcore_axis_name="s"),
        scratch_types=[
            pltpu.VMEM((ROWS_PER_W,), jnp.int32),
            pltpu.VMEM((SCH, EMBEDDING_DIM), jnp.float32),
            pltpu.VMEM((SCH, 128), jnp.float32),
            pltpu.VMEM((16,), jnp.float32),
            pltpu.SemaphoreType.DMA,
        ],
    )(_sc_lookup_kernel)
    w_pad = jnp.pad(W, ((0, 0), (0, 128 - EMBEDDING_DIM)))
    zq_st, loss_p = sc(z, w_pad, idx.reshape(N))

    loss, perp = pl.pallas_call(
        _finish_kernel,
        out_shape=(
            jax.ShapeDtypeStruct((1, 1), jnp.float32),
            jax.ShapeDtypeStruct((1, 1), jnp.float32),
        ),
    )(counts_p.reshape(GRID, NUM_EMBEDDINGS), loss_p)
    return (zq_st, loss[0, 0], (perp[0, 0], onehot, idx))

# --- scband reference (transcript-rebuilt; emitter-appended) ---
"""Pipeline reference for scband-vector-quantizer-29549374996659 (READ-ONLY COPY).

The authoritative reference and input builder live on the scoring server;
editing this copy changes nothing except your own understanding.
"""

import jax, jax.numpy as jnp
import numpy as np

NUM_EMBEDDINGS = 1024
EMBEDDING_DIM = 32
BETA = 0.25
N = 65536


def setup_inputs(seed: int = 0) -> dict:
    key = jax.random.key(seed)
    k1, k2 = jax.random.split(key)
    z = jax.random.normal(k1, (N, EMBEDDING_DIM), dtype=jnp.float32)
    W = jax.random.uniform(k2, (NUM_EMBEDDINGS, EMBEDDING_DIM), dtype=jnp.float32,
                           minval=-1.0 / NUM_EMBEDDINGS, maxval=1.0 / NUM_EMBEDDINGS)
    return {"z": z, "W": W}


def reference(z, W):
    # distances[i, j] = ||z_i||^2 + ||W_j||^2 - 2 z_i . W_j
    distances = (jnp.sum(z ** 2, axis=1, keepdims=True)
                 + jnp.sum(W ** 2, axis=1)
                 - 2.0 * jnp.matmul(z, W.T))
    min_encoding_indices = jnp.argmin(distances, axis=1)[:, None]
    rows = jnp.arange(z.shape[0])[:, None]
    min_encodings = jnp.zeros((z.shape[0], NUM_EMBEDDINGS), dtype=z.dtype).at[rows, min_encoding_indices].set(1.0)
    z_q = jnp.matmul(min_encodings, W).reshape(z.shape)
    loss = (jnp.mean((jax.lax.stop_gradient(z_q) - z) ** 2)
            + BETA * jnp.mean((z_q - jax.lax.stop_gradient(z)) ** 2))
    z_q_st = z + jax.lax.stop_gradient(z_q - z)
    e_mean = jnp.mean(min_encodings, axis=0)
    perplexity = jnp.exp(-jnp.sum(e_mean * jnp.log(e_mean + 1e-10)))
    return (z_q_st, loss, (perplexity, min_encodings, min_encoding_indices))

if __name__ == "__main__":
    import jax
    _d = setup_inputs()
    print(jax.jit(kernel)(*tuple(_d.values())))

</pallas_src>

<mosaic_0001>
#map = affine_map<(d0, d1) -> (0, 0)>
#map1 = affine_map<(d0, d1) -> (0)>
module attributes {stable_mosaic.version = 14 : i64} {
  func.func @_sc_lookup_kernel(%arg0: i32, %arg1: i32, %arg2: memref<65536x32xf32, #tpu.memory_space<hbm>>, %arg3: memref<1024x128xf32, #tpu.memory_space<hbm>>, %arg4: memref<65536xi32, #tpu.memory_space<hbm>>, %arg5: memref<65536x32xf32, #tpu.memory_space<hbm>>, %arg6: memref<32x16xf32, #tpu.memory_space<hbm>>, %arg7: memref<2048xi32, #tpu.memory_space<vmem>>, %arg8: memref<256x32xf32, #tpu.memory_space<vmem>>, %arg9: memref<256x128xf32, #tpu.memory_space<vmem>>, %arg10: memref<16xf32, #tpu.memory_space<vmem>>, %arg11: memref<!tpu.dma_semaphore, #tpu.memory_space<semaphore_mem>>) attributes {dimension_semantics = [#tpu.dimension_semantics<core_parallel>, #tpu.dimension_semantics<subcore_parallel>], iteration_bounds = array<i64: 2, 16>, scalar_prefetch = 0 : i64, scratch_operands = 5 : i64, tpu.core_type = #tpu.core_type<sc_vector_subcore>, window_params = [{transform_indices = #map}, {transform_indices = #map}, {transform_indices = #map1}, {transform_indices = #map}, {transform_indices = #map}]} {
    %mul3A = arith.constant 2 : i32
    %mul3A_0 = arith.muli %arg1, %mul3A : i32
    %add3A = arith.addi %mul3A_0, %arg0 : i32
    %mul3A_1 = arith.constant 2048 : i32
    %mul3A_2 = arith.muli %add3A, %mul3A_1 : i32
    "tpu.region"() ({
      %run_scoped3A = tpu.sem_alloc : memref<!tpu.dma_semaphore, #tpu.memory_space<semaphore_mem>>
      %dma_start3A = tpu.memref_slice %arg4[%mul3A_2] : memref<65536xi32, #tpu.memory_space<hbm>> -> memref<2048xi32, #tpu.memory_space<hbm>>
      %dma_start3A_12 = tpu.memref_slice %arg4[%mul3A_2] : memref<65536xi32, #tpu.memory_space<hbm>> -> memref<2048xi32, #tpu.memory_space<hbm>>
      tpu.enqueue_dma source(%dma_start3A_12 : memref<2048xi32, #tpu.memory_space<hbm>>) target(%arg7 : memref<2048xi32, #tpu.memory_space<vmem>>) target_semaphore(%run_scoped3A : memref<!tpu.dma_semaphore, #tpu.memory_space<semaphore_mem>>)
      %dma_wait3A = tpu.memref_slice %arg4[%mul3A_2] : memref<65536xi32, #tpu.memory_space<hbm>> -> memref<2048xi32, #tpu.memory_space<hbm>>
      %dma_wait3A_13 = tpu.memref_slice %arg4[%mul3A_2] : memref<65536xi32, #tpu.memory_space<hbm>> -> memref<2048xi32, #tpu.memory_space<hbm>>
      tpu.wait_dma2 semaphore(%run_scoped3A : memref<!tpu.dma_semaphore, #tpu.memory_space<semaphore_mem>>) src(%dma_wait3A_13 : memref<2048xi32, #tpu.memory_space<hbm>>) dst(%arg7 : memref<2048xi32, #tpu.memory_space<vmem>>)
      tpu.yield
    }) : () -> ()
    %broadcast_in_dim3A = arith.constant 0.000000e+00 : f32
    %broadcast_in_dim3A_3 = vector.broadcast %broadcast_in_dim3A : f32 to vector<16xf32>
    %scan3A = arith.constant 0 : i32
    %scan3A_4 = arith.constant 8 : i32
    %scan3A_5 = arith.addi %scan3A, %scan3A_4 : i32
    %scan3A_6 = arith.constant 1 : i32
    %scan3A_7 = scf.for %scan3A_12 = %scan3A to %scan3A_5 step %scan3A_6 iter_args(%scan3A_13 = %broadcast_in_dim3A_3) -> (vector<16xf32>)  : i32 {
      %mul3A_14 = arith.constant 256 : i32
      %mul3A_15 = arith.muli %scan3A_12, %mul3A_14 : i32
      %add3A_16 = arith.addi %mul3A_2, %mul3A_15 : i32
      %mul3A_17 = arith.constant 256 : i32
      %mul3A_18 = arith.muli %scan3A_12, %mul3A_17 : i32
      %add3A_19 = arith.constant 0 : i32
      %add3A_20 = arith.addi %mul3A_18, %add3A_19 : i32
      %dma_start3A = arith.constant 0 : i32
      %dma_start3A_21 = arith.constant 0 : i32
      %dma_start3A_22 = tpu.memref_slice %arg9[%dma_start3A, %dma_start3A_21] : memref<256x128xf32, #tpu.memory_space<vmem>> -> memref<128x128xf32, #tpu.memory_space<vmem>>
      %dma_start3A_23 = tpu.memref_slice %arg7[%add3A_20] : memref<2048xi32, #tpu.memory_space<vmem>> -> memref<128xi32, #tpu.memory_space<vmem>>
      %dma_start3A_24 = arith.constant 0 : i32
      %dma_start3A_25 = arith.constant 0 : i32
      %dma_start3A_26 = tpu.memref_slice %arg3[%dma_start3A_24, %dma_start3A_25] : memref<1024x128xf32, #tpu.memory_space<hbm>> -> memref<1024x128xf32, #tpu.memory_space<hbm>>
      tpu.enqueue_indirect_dma source(%dma_start3A_26 : memref<1024x128xf32, #tpu.memory_space<hbm>>) target(%dma_start3A_22 : memref<128x128xf32, #tpu.memory_space<vmem>>) offsets(%dma_start3A_23 : memref<128xi32, #tpu.memory_space<vmem>>) semaphore(%arg11 : memref<!tpu.dma_semaphore, #tpu.memory_space<semaphore_mem>>)
      %mul3A_27 = arith.constant 256 : i32
      %mul3A_28 = arith.muli %scan3A_12, %mul3A_27 : i32
      %add3A_29 = arith.constant 128 : i32
      %add3A_30 = arith.addi %mul3A_28, %add3A_29 : i32
      %dma_start3A_31 = arith.constant 128 : i32
      %dma_start3A_32 = arith.constant 0 : i32
      %dma_start3A_33 = tpu.memref_slice %arg9[%dma_start3A_31, %dma_start3A_32] : memref<256x128xf32, #tpu.memory_space<vmem>> -> memref<128x128xf32, #tpu.memory_space<vmem>>
      %dma_start3A_34 = tpu.memref_slice %arg7[%add3A_30] : memref<2048xi32, #tpu.memory_space<vmem>> -> memref<128xi32, #tpu.memory_space<vmem>>
      %dma_start3A_35 = arith.constant 0 : i32
      %dma_start3A_36 = arith.constant 0 : i32
      %dma_start3A_37 = tpu.memref_slice %arg3[%dma_start3A_35, %dma_start3A_36] : memref<1024x128xf32, #tpu.memory_space<hbm>> -> memref<1024x128xf32, #tpu.memory_space<hbm>>
      tpu.enqueue_indirect_dma source(%dma_start3A_37 : memref<1024x128xf32, #tpu.memory_space<hbm>>) target(%dma_start3A_33 : memref<128x128xf32, #tpu.memory_space<vmem>>) offsets(%dma_start3A_34 : memref<128xi32, #tpu.memory_space<vmem>>) semaphore(%arg11 : memref<!tpu.dma_semaphore, #tpu.memory_space<semaphore_mem>>)
      "tpu.region"() ({
        %run_scoped3A = tpu.sem_alloc : memref<!tpu.dma_semaphore, #tpu.memory_space<semaphore_mem>>
        %dma_start3A_54 = arith.constant 0 : i32
        %dma_start3A_55 = tpu.memref_slice %arg2[%add3A_16, %dma_start3A_54] : memref<65536x32xf32, #tpu.memory_space<hbm>> -> memref<256x32xf32, #tpu.memory_space<hbm>>
        %dma_start3A_56 = arith.constant 0 : i32
        %dma_start3A_57 = tpu.memref_slice %arg2[%add3A_16, %dma_start3A_56] : memref<65536x32xf32, #tpu.memory_space<hbm>> -> memref<256x32xf32, #tpu.memory_space<hbm>>
        tpu.enqueue_dma source(%dma_start3A_57 : memref<256x32xf32, #tpu.memory_space<hbm>>) target(%arg8 : memref<256x32xf32, #tpu.memory_space<vmem>>) target_semaphore(%run_scoped3A : memref<!tpu.dma_semaphore, #tpu.memory_space<semaphore_mem>>)
        %dma_wait3A_58 = arith.constant 0 : i32
        %dma_wait3A_59 = tpu.memref_slice %arg2[%add3A_16, %dma_wait3A_58] : memref<65536x32xf32, #tpu.memory_space<hbm>> -> memref<256x32xf32, #tpu.memory_space<hbm>>
        %dma_wait3A_60 = arith.constant 0 : i32
        %dma_wait3A_61 = tpu.memref_slice %arg2[%add3A_16, %dma_wait3A_60] : memref<65536x32xf32, #tpu.memory_space<hbm>> -> memref<256x32xf32, #tpu.memory_space<hbm>>
        tpu.wait_dma2 semaphore(%run_scoped3A : memref<!tpu.dma_semaphore, #tpu.memory_space<semaphore_mem>>) src(%dma_wait3A_61 : memref<256x32xf32, #tpu.memory_space<hbm>>) dst(%arg8 : memref<256x32xf32, #tpu.memory_space<vmem>>)
        tpu.yield
      }) : () -> ()
      %dma_wait3A = arith.constant 0 : i32
      %dma_wait3A_38 = arith.constant 0 : i32
      %dma_wait3A_39 = tpu.memref_slice %arg9[%dma_wait3A, %dma_wait3A_38] : memref<256x128xf32, #tpu.memory_space<vmem>> -> memref<128x128xf32, #tpu.memory_space<vmem>>
      %dma_wait3A_40 = tpu.memref_slice %arg7[%add3A_20] : memref<2048xi32, #tpu.memory_space<vmem>> -> memref<128xi32, #tpu.memory_space<vmem>>
      %dma_wait3A_41 = arith.constant 0 : i32
      %dma_wait3A_42 = arith.constant 0 : i32
      %dma_wait3A_43 = tpu.memref_slice %arg3[%dma_wait3A_41, %dma_wait3A_42] : memref<1024x128xf32, #tpu.memory_space<hbm>> -> memref<1024x128xf32, #tpu.memory_space<hbm>>
      tpu.wait_indirect_dma semaphore(%arg11 : memref<!tpu.dma_semaphore, #tpu.memory_space<semaphore_mem>>) src(%dma_wait3A_43 : memref<1024x128xf32, #tpu.memory_space<hbm>>) dst(%dma_wait3A_39 : memref<128x128xf32, #tpu.memory_space<vmem>>)
      %dma_wait3A_44 = arith.constant 128 : i32
      %dma_wait3A_45 = arith.constant 0 : i32
      %dma_wait3A_46 = tpu.memref_slice %arg9[%dma_wait3A_44, %dma_wait3A_45] : memref<256x128xf32, #tpu.memory_space<vmem>> -> memref<128x128xf32, #tpu.memory_space<vmem>>
      %dma_wait3A_47 = tpu.memref_slice %arg7[%add3A_30] : memref<2048xi32, #tpu.memory_space<vmem>> -> memref<128xi32, #tpu.memory_space<vmem>>
      %dma_wait3A_48 = arith.constant 0 : i32
      %dma_wait3A_49 = arith.constant 0 : i32
      %dma_wait3A_50 = tpu.memref_slice %arg3[%dma_wait3A_48, %dma_wait3A_49] : memref<1024x128xf32, #tpu.memory_space<hbm>> -> memref<1024x128xf32, #tpu.memory_space<hbm>>
      tpu.wait_indirect_dma semaphore(%arg11 : memref<!tpu.dma_semaphore, #tpu.memory_space<semaphore_mem>>) src(%dma_wait3A_50 : memref<1024x128xf32, #tpu.memory_space<hbm>>) dst(%dma_wait3A_46 : memref<128x128xf32, #tpu.memory_space<vmem>>)
      %parallel_loop3A = arith.constant 0 : i32
      %parallel_loop3A_51 = arith.constant 256 : i32
      %parallel_loop3A_52 = arith.constant 1 : i32
      %parallel_loop3A_53 = scf.for %parallel_loop3A_54 = %parallel_loop3A to %parallel_loop3A_51 step %parallel_loop3A_52 iter_args(%parallel_loop3A_55 = %scan3A_13) -> (vector<16xf32>)  : i32 {
        %parallel_loop3A_56 = arith.index_cast %parallel_loop3A_54 : i32 to index
        %parallel_loop3A_57 = arith.constant 0 : index
        %parallel_loop3A_58 = tpu.vector_load %arg9[%parallel_loop3A_56, %parallel_loop3A_57] {strides = array<i32>} : memref<256x128xf32, #tpu.memory_space<vmem>>, vector<1x16xf32>,
        %parallel_loop3A_59 = vector.shape_cast %parallel_loop3A_58 : vector<1x16xf32> to vector<16xf32>
        %parallel_loop3A_60 = arith.index_cast %parallel_loop3A_54 : i32 to index
        %parallel_loop3A_61 = arith.constant 0 : index
        %parallel_loop3A_62 = tpu.vector_load %arg8[%parallel_loop3A_60, %parallel_loop3A_61] {strides = array<i32>} : memref<256x32xf32, #tpu.memory_space<vmem>>, vector<1x16xf32>,
        %parallel_loop3A_63 = vector.shape_cast %parallel_loop3A_62 : vector<1x16xf32> to vector<16xf32>
        %parallel_loop3A_64 = arith.constant 6.553700e+04 : f32
        %parallel_loop3A_65 = vector.broadcast %parallel_loop3A_64 : f32 to vector<16xf32>
        %parallel_loop3A_66 = arith.mulf %parallel_loop3A_59, %parallel_loop3A_65 : vector<16xf32>
        %parallel_loop3A_67 = arith.subf %parallel_loop3A_66, %parallel_loop3A_59 : vector<16xf32>
        %parallel_loop3A_68 = arith.subf %parallel_loop3A_66, %parallel_loop3A_67 : vector<16xf32>
        %parallel_loop3A_69 = arith.subf %parallel_loop3A_68, %parallel_loop3A_63 : vector<16xf32>
        %parallel_loop3A_70 = arith.addf %parallel_loop3A_63, %parallel_loop3A_69 : vector<16xf32>
        %parallel_loop3A_71 = arith.index_cast %parallel_loop3A_54 : i32 to index
        %parallel_loop3A_72 = arith.constant 0 : index
        %parallel_loop3A_73 = tpu.vector_load %arg8[%parallel_loop3A_71, %parallel_loop3A_72] {strides = array<i32>} : memref<256x32xf32, #tpu.memory_space<vmem>>, vector<1x16xf32>,
        %parallel_loop3A_74 = vector.shape_cast %parallel_loop3A_73 : vector<1x16xf32> to vector<16xf32>
        %parallel_loop3A_75 = vector.shape_cast %parallel_loop3A_70 : vector<16xf32> to vector<1x16xf32>
        tpu.vector_store %arg8[%parallel_loop3A_71, %parallel_loop3A_72], %parallel_loop3A_75 {strides = array<i32>} : memref<256x32xf32, #tpu.memory_space<vmem>>, vector<1x16xf32>,
        %parallel_loop3A_76 = arith.mulf %parallel_loop3A_69, %parallel_loop3A_69 : vector<16xf32>
        %parallel_loop3A_77 = arith.addf %parallel_loop3A_55, %parallel_loop3A_76 : vector<16xf32>
        %parallel_loop3A_78 = arith.index_cast %parallel_loop3A_54 : i32 to index
        %parallel_loop3A_79 = arith.constant 16 : index
        %parallel_loop3A_80 = tpu.vector_load %arg9[%parallel_loop3A_78, %parallel_loop3A_79] {strides = array<i32>} : memref<256x128xf32, #tpu.memory_space<vmem>>, vector<1x16xf32>,
        %parallel_loop3A_81 = vector.shape_cast %parallel_loop3A_80 : vector<1x16xf32> to vector<16xf32>
        %parallel_loop3A_82 = arith.index_cast %parallel_loop3A_54 : i32 to index
        %parallel_loop3A_83 = arith.constant 16 : index
        %parallel_loop3A_84 = tpu.vector_load %arg8[%parallel_loop3A_82, %parallel_loop3A_83] {strides = array<i32>} : memref<256x32xf32, #tpu.memory_space<vmem>>, vector<1x16xf32>,
        %parallel_loop3A_85 = vector.shape_cast %parallel_loop3A_84 : vector<1x16xf32> to vector<16xf32>
        %parallel_loop3A_86 = arith.constant 6.553700e+04 : f32
        %parallel_loop3A_87 = vector.broadcast %parallel_loop3A_86 : f32 to vector<16xf32>
        %parallel_loop3A_88 = arith.mulf %parallel_loop3A_81, %parallel_loop3A_87 : vector<16xf32>
        %parallel_loop3A_89 = arith.subf %parallel_loop3A_88, %parallel_loop3A_81 : vector<16xf32>
        %parallel_loop3A_90 = arith.subf %parallel_loop3A_88, %parallel_loop3A_89 : vector<16xf32>
        %parallel_loop3A_91 = arith.subf %parallel_loop3A_90, %parallel_loop3A_85 : vector<16xf32>
        %parallel_loop3A_92 = arith.addf %parallel_loop3A_85, %parallel_loop3A_91 : vector<16xf32>
        %parallel_loop3A_93 = arith.index_cast %parallel_loop3A_54 : i32 to index
        %parallel_loop3A_94 = arith.constant 16 : index
        %parallel_loop3A_95 = tpu.vector_load %arg8[%parallel_loop3A_93, %parallel_loop3A_94] {strides = array<i32>} : memref<256x32xf32, #tpu.memory_space<vmem>>, vector<1x16xf32>,
        %parallel_loop3A_96 = vector.shape_cast %parallel_loop3A_95 : vector<1x16xf32> to vector<16xf32>
        %parallel_loop3A_97 = vector.shape_cast %parallel_loop3A_92 : vector<16xf32> to vector<1x16xf32>
        tpu.vector_store %arg8[%parallel_loop3A_93, %parallel_loop3A_94], %parallel_loop3A_97 {strides = array<i32>} : memref<256x32xf32, #tpu.memory_space<vmem>>, vector<1x16xf32>,
        %parallel_loop3A_98 = arith.mulf %parallel_loop3A_91, %parallel_loop3A_91 : vector<16xf32>
        %parallel_loop3A_99 = arith.addf %parallel_loop3A_77, %parallel_loop3A_98 : vector<16xf32>
        scf.yield %parallel_loop3A_99 : vector<16xf32>
      } {sc.loop_unroll_factor = 8 : i64, sc.parallel_access}
      "tpu.region"() ({
        %run_scoped3A = tpu.sem_alloc : memref<!tpu.dma_semaphore, #tpu.memory_space<semaphore_mem>>
        %dma_start3A_54 = arith.constant 0 : i32
        %dma_start3A_55 = tpu.memref_slice %arg5[%add3A_16, %dma_start3A_54] : memref<65536x32xf32, #tpu.memory_space<hbm>> -> memref<256x32xf32, #tpu.memory_space<hbm>>
        %dma_start3A_56 = arith.constant 0 : i32
        %dma_start3A_57 = tpu.memref_slice %arg5[%add3A_16, %dma_start3A_56] : memref<65536x32xf32, #tpu.memory_space<hbm>> -> memref<256x32xf32, #tpu.memory_space<hbm>>
        tpu.enqueue_dma source(%arg8 : memref<256x32xf32, #tpu.memory_space<vmem>>) target(%dma_start3A_57 : memref<256x32xf32, #tpu.memory_space<hbm>>) target_semaphore(%run_scoped3A : memref<!tpu.dma_semaphore, #tpu.memory_space<semaphore_mem>>)
        %dma_wait3A_58 = arith.constant 0 : i32
        %dma_wait3A_59 = tpu.memref_slice %arg5[%add3A_16, %dma_wait3A_58] : memref<65536x32xf32, #tpu.memory_space<hbm>> -> memref<256x32xf32, #tpu.memory_space<hbm>>
        %dma_wait3A_60 = arith.constant 0 : i32
        %dma_wait3A_61 = tpu.memref_slice %arg5[%add3A_16, %dma_wait3A_60] : memref<65536x32xf32, #tpu.memory_space<hbm>> -> memref<256x32xf32, #tpu.memory_space<hbm>>
        tpu.wait_dma2 semaphore(%run_scoped3A : memref<!tpu.dma_semaphore, #tpu.memory_space<semaphore_mem>>) src(%arg8 : memref<256x32xf32, #tpu.memory_space<vmem>>) dst(%dma_wait3A_61 : memref<256x32xf32, #tpu.memory_space<hbm>>)
        tpu.yield
      }) : () -> ()
      scf.yield %parallel_loop3A_53 : vector<16xf32>
    }
    %scan3A_8 = arith.constant 8 : i32
    %swap3A = arith.constant 0 : index
    %swap3A_9 = tpu.vector_load %arg10[%swap3A] {strides = array<i32>} : memref<16xf32, #tpu.memory_space<vmem>>, vector<16xf32>,
    %swap3A_10 = vector.shape_cast %swap3A_9 : vector<16xf32> to vector<16xf32>
    %swap3A_11 = vector.shape_cast %scan3A_7 : vector<16xf32> to vector<16xf32>
    tpu.vector_store %arg10[%swap3A], %swap3A_11 {strides = array<i32>} : memref<16xf32, #tpu.memory_space<vmem>>, vector<16xf32>,
    "tpu.region"() ({
      %run_scoped3A = tpu.sem_alloc : memref<!tpu.dma_semaphore, #tpu.memory_space<semaphore_mem>>
      %dma_start3A = arith.constant 0 : i32
      %dma_start3A_12 = tpu.memref_slice %arg6[%add3A, %dma_start3A] : memref<32x16xf32, #tpu.memory_space<hbm>> -> memref<1x16xf32, #tpu.memory_space<hbm>>
      %dma_start3A_13 = tpu.memref_squeeze %dma_start3A_12 : memref<1x16xf32, #tpu.memory_space<hbm>> -> memref<16xf32, #tpu.memory_space<hbm>>
      %dma_start3A_14 = arith.constant 0 : i32
      %dma_start3A_15 = tpu.memref_slice %arg6[%add3A, %dma_start3A_14] : memref<32x16xf32, #tpu.memory_space<hbm>> -> memref<1x16xf32, #tpu.memory_space<hbm>>
      %dma_start3A_16 = tpu.memref_squeeze %dma_start3A_15 : memref<1x16xf32, #tpu.memory_space<hbm>> -> memref<16xf32, #tpu.memory_space<hbm>>
      tpu.enqueue_dma source(%arg10 : memref<16xf32, #tpu.memory_space<vmem>>) target(%dma_start3A_16 : memref<16xf32, #tpu.memory_space<hbm>>) target_semaphore(%run_scoped3A : memref<!tpu.dma_semaphore, #tpu.memory_space<semaphore_mem>>)
      %dma_wait3A = arith.constant 0 : i32
      %dma_wait3A_17 = tpu.memref_slice %arg6[%add3A, %dma_wait3A] : memref<32x16xf32, #tpu.memory_space<hbm>> -> memref<1x16xf32, #tpu.memory_space<hbm>>
      %dma_wait3A_18 = tpu.memref_squeeze %dma_wait3A_17 : memref<1x16xf32, #tpu.memory_space<hbm>> -> memref<16xf32, #tpu.memory_space<hbm>>
      %dma_wait3A_19 = arith.constant 0 : i32
      %dma_wait3A_20 = tpu.memref_slice %arg6[%add3A, %dma_wait3A_19] : memref<32x16xf32, #tpu.memory_space<hbm>> -> memref<1x16xf32, #tpu.memory_space<hbm>>
      %dma_wait3A_21 = tpu.memref_squeeze %dma_wait3A_20 : memref<1x16xf32, #tpu.memory_space<hbm>> -> memref<16xf32, #tpu.memory_space<hbm>>
      tpu.wait_dma2 semaphore(%run_scoped3A : memref<!tpu.dma_semaphore, #tpu.memory_space<semaphore_mem>>) src(%arg10 : memref<16xf32, #tpu.memory_space<vmem>>) dst(%dma_wait3A_21 : memref<16xf32, #tpu.memory_space<hbm>>)
      tpu.yield
    }) : () -> ()
    return
  }
}

module attributes {stable_mosaic.version = 14 : i64} {
  func.func @_argmin_kernel(%arg0: i32, %arg1: memref<2048x32xf32, #tpu.memory_space<vmem>>, %arg2: memref<1024x32xf32, #tpu.memory_space<vmem>>, %arg3: memref<2048x1024xf32, #tpu.memory_space<vmem>>, %arg4: memref<2048x1xi32, #tpu.memory_space<vmem>>, %arg5: memref<1x1x1024xf32, #tpu.memory_space<vmem>>) attributes {dimension_semantics = [#tpu.dimension_semantics<parallel>], iteration_bounds = array<i64: 32>, scalar_prefetch = 0 : i64, scratch_operands = 0 : i64, tpu.core_type = #tpu.core_type<tc>, window_params = [{transform_indices = @transform_0, window_bounds = array<i64: 2048, 32>}, {pipeline_mode = #tpu.pipeline_mode<synchronous>, transform_indices = @transform_1, window_bounds = array<i64: 1024, 32>}, {transform_indices = @transform_2, window_bounds = array<i64: 2048, 1024>}, {transform_indices = @transform_3, window_bounds = array<i64: 2048, 1>}, {transform_indices = @transform_4, window_bounds = array<i64: 1, 1, 1024>}]} {
    %get3A = arith.constant 0 : index
    %get3A_0 = arith.constant 0 : index
    %get3A_1 = vector.load %arg1[%get3A, %get3A_0] : memref<2048x32xf32, #tpu.memory_space<vmem>>, vector<2048x32xf32>
    %get3A_2 = arith.constant 0 : index
    %get3A_3 = arith.constant 0 : index
    %get3A_4 = vector.load %arg2[%get3A_2, %get3A_3] : memref<1024x32xf32, #tpu.memory_space<vmem>>, vector<1024x32xf32>
    %mul3A = arith.mulf %get3A_1, %get3A_1 : vector<2048x32xf32>
    %reduce_sum3A = arith.constant dense<0.000000e+00> : vector<2048xf32>
    %reduce_sum3A_5 = vector.multi_reduction <add>, %mul3A, %reduce_sum3A [1] : vector<2048x32xf32> to vector<2048xf32>
    %broadcast_in_dim3A = vector.shape_cast %reduce_sum3A_5 : vector<2048xf32> to vector<2048x1xf32>
    %mul3A_6 = arith.mulf %get3A_4, %get3A_4 : vector<1024x32xf32>
    %reduce_sum3A_7 = arith.constant dense<0.000000e+00> : vector<1024xf32>
    %reduce_sum3A_8 = vector.multi_reduction <add>, %mul3A_6, %reduce_sum3A_7 [1] : vector<1024x32xf32> to vector<1024xf32>
    %mul3A_9 = arith.constant -2.000000e+00 : f32
    %mul3A_10 = vector.broadcast %mul3A_9 : f32 to vector<2048x32xf32>
    %mul3A_11 = arith.mulf %get3A_1, %mul3A_10 : vector<2048x32xf32>
    %convert_element_type3A = arith.truncf %mul3A_11 : vector<2048x32xf32> to vector<2048x32xbf16>
    %convert_element_type3A_12 = arith.truncf %get3A_4 : vector<1024x32xf32> to vector<1024x32xbf16>
    %transpose3A = tpu.transpose %convert_element_type3A_12, [1, 0] : vector<1024x32xbf16> -> vector<32x1024xbf16>
    %dot_general3A = arith.constant dense<0.000000e+00> : vector<2048x1024xf32>
    %dot_general3A_13 = tpu.matmul %convert_element_type3A, %transpose3A, %dot_general3A {dimension_numbers = #tpu.dot_dimension_numbers<[1], [0], [0], [1], [0, 0, 1, 1], [], []>, transpose_lhs_hint = false} : vector<2048x32xbf16>, vector<32x1024xbf16>, vector<2048x1024xf32> -> vector<2048x1024xf32>
    %broadcast_in_dim3A_14 = vector.shape_cast %reduce_sum3A_8 : vector<1024xf32> to vector<1x1024xf32>
    %add3A = vector.broadcast %broadcast_in_dim3A : vector<2048x1xf32> to vector<2048x1024xf32>
    %add3A_15 = vector.broadcast %broadcast_in_dim3A_14 : vector<1x1024xf32> to vector<2048x1024xf32>
    %add3A_16 = arith.addf %add3A, %add3A_15 : vector<2048x1024xf32>
    %add3A_17 = arith.addf %add3A_16, %dot_general3A_13 : vector<2048x1024xf32>
    %iota3A = tpu.iota {dimensions = array<i32: 1>} : vector<2048x1024xi32>
    %convert_element_type3A_18 = arith.sitofp %iota3A : vector<2048x1024xi32> to vector<2048x1024xf32>
    %reduce_min3A = arith.constant dense<0x7F800000> : vector<2048xf32>
    %reduce_min3A_19 = vector.multi_reduction <minimumf>, %add3A_17, %reduce_min3A [1] : vector<2048x1024xf32> to vector<2048xf32>
    %broadcast_in_dim3A_20 = vector.shape_cast %reduce_min3A_19 : vector<2048xf32> to vector<2048x1xf32>
    %eq3A = vector.broadcast %broadcast_in_dim3A_20 : vector<2048x1xf32> to vector<2048x1024xf32>
    %eq3A_21 = arith.cmpf oeq, %add3A_17, %eq3A : vector<2048x1024xf32>
    %jit3A = arith.constant 1.024000e+03 : f32
    %broadcast_in_dim3A_22 = vector.broadcast %jit3A : f32 to vector<2048x1024xf32>
    %select_n3A = arith.select %eq3A_21, %convert_element_type3A_18, %broadcast_in_dim3A_22 : vector<2048x1024xi1>, vector<2048x1024xf32>
    %reduce_min3A_23 = arith.constant dense<0x7F800000> : vector<2048xf32>
    %reduce_min3A_24 = vector.multi_reduction <minimumf>, %select_n3A, %reduce_min3A_23 [1] : vector<2048x1024xf32> to vector<2048xf32>
    %broadcast_in_dim3A_25 = vector.shape_cast %reduce_min3A_24 : vector<2048xf32> to vector<2048x1xf32>
    %eq3A_26 = vector.broadcast %broadcast_in_dim3A_25 : vector<2048x1xf32> to vector<2048x1024xf32>
    %eq3A_27 = arith.cmpf oeq, %convert_element_type3A_18, %eq3A_26 : vector<2048x1024xf32>
    %convert_element_type3A_28 = arith.extui %eq3A_27 : vector<2048x1024xi1> to vector<2048x1024xi32>
    %convert_element_type3A_29 = arith.sitofp %convert_element_type3A_28 : vector<2048x1024xi32> to vector<2048x1024xf32>
    %swap3A = arith.constant 0 : index
    %swap3A_30 = arith.constant 0 : index
    %swap3A_31 = vector.load %arg3[%swap3A, %swap3A_30] : memref<2048x1024xf32, #tpu.memory_space<vmem>>, vector<2048x1024xf32>
    tpu.vector_store %arg3[%swap3A, %swap3A_30], %convert_element_type3A_29 {strides = array<i32>} : memref<2048x1024xf32, #tpu.memory_space<vmem>>, vector<2048x1024xf32>,
    %convert_element_type3A_32 = arith.fptosi %broadcast_in_dim3A_25 : vector<2048x1xf32> to vector<2048x1xi32>
    %swap3A_33 = arith.constant 0 : index
    %swap3A_34 = arith.constant 0 : index
    %swap3A_35 = vector.load %arg4[%swap3A_33, %swap3A_34] : memref<2048x1xi32, #tpu.memory_space<vmem>>, vector<2048x1xi32>
    tpu.vector_store %arg4[%swap3A_33, %swap3A_34], %convert_element_type3A_32 {strides = array<i32>} : memref<2048x1xi32, #tpu.memory_space<vmem>>, vector<2048x1xi32>,
    %broadcast_in_dim3A_36 = arith.constant 1.000000e+00 : bf16
    %broadcast_in_dim3A_37 = vector.broadcast %broadcast_in_dim3A_36 : bf16 to vector<1x2048xbf16>
    %convert_element_type3A_38 = arith.truncf %convert_element_type3A_29 : vector<2048x1024xf32> to vector<2048x1024xbf16>
    %dot_general3A_39 = arith.constant dense<0.000000e+00> : vector<1x1024xf32>
    %dot_general3A_40 = tpu.matmul %broadcast_in_dim3A_37, %convert_element_type3A_38, %dot_general3A_39 {dimension_numbers = #tpu.dot_dimension_numbers<[1], [0], [0], [1], [0, 0, 1, 1], [], []>, transpose_lhs_hint = false} : vector<1x2048xbf16>, vector<2048x1024xbf16>, vector<1x1024xf32> -> vector<1x1024xf32>
    %broadcast_in_dim3A_41 = vector.shape_cast %dot_general3A_40 : vector<1x1024xf32> to vector<1x1x1024xf32>
    %swap3A_42 = arith.constant 0 : index
    %swap3A_43 = arith.constant 0 : index
    %swap3A_44 = arith.constant 0 : index
    %swap3A_45 = vector.load %arg5[%swap3A_42, %swap3A_43, %swap3A_44] : memref<1x1x1024xf32, #tpu.memory_space<vmem>>, vector<1x1x1024xf32>
    tpu.vector_store %arg5[%swap3A_42, %swap3A_43, %swap3A_44], %broadcast_in_dim3A_41 {strides = array<i32>} : memref<1x1x1024xf32, #tpu.memory_space<vmem>>, vector<1x1x1024xf32>,
    return
  }
  func.func @transform_0(%arg0: i32) -> (i32, i32) {
    %c0_i32 = arith.constant 0 : i32
    %c0_i32_0 = arith.constant 0 : i32
    return %arg0, %c0_i32 : i32, i32
  }
  func.func @transform_1(%arg0: i32) -> (i32, i32) {
    %c0_i32 = arith.constant 0 : i32
    %c0_i32_0 = arith.constant 0 : i32
    %c0_i32_1 = arith.constant 0 : i32
    return %c0_i32, %c0_i32_0 : i32, i32
  }
  func.func @transform_2(%arg0: i32) -> (i32, i32) {
    %c0_i32 = arith.constant 0 : i32
    %c0_i32_0 = arith.constant 0 : i32
    return %arg0, %c0_i32 : i32, i32
  }
  func.func @transform_3(%arg0: i32) -> (i32, i32) {
    %c0_i32 = arith.constant 0 : i32
    %c0_i32_0 = arith.constant 0 : i32
    return %arg0, %c0_i32 : i32, i32
  }
  func.func @transform_4(%arg0: i32) -> (i32, i32, i32) {
    %c0_i32 = arith.constant 0 : i32
    %c0_i32_0 = arith.constant 0 : i32
    %c0_i32_1 = arith.constant 0 : i32
    return %arg0, %c0_i32, %c0_i32_0 : i32, i32, i32
  }
}

module attributes {stable_mosaic.version = 14 : i64} {
  func.func @_finish_kernel(%arg0: memref<32x1024xf32, #tpu.memory_space<vmem>>, %arg1: memref<32x16xf32, #tpu.memory_space<vmem>>, %arg2: memref<1x1xf32, #tpu.memory_space<vmem>>, %arg3: memref<1x1xf32, #tpu.memory_space<vmem>>) attributes {dimension_semantics = [], scalar_prefetch = 0 : i64, scratch_operands = 0 : i64, tpu.core_type = #tpu.core_type<tc>} {
    %get3A = arith.constant 0 : index
    %get3A_0 = arith.constant 0 : index
    %get3A_1 = vector.load %arg0[%get3A, %get3A_0] : memref<32x1024xf32, #tpu.memory_space<vmem>>, vector<32x1024xf32>
    %reduce_sum3A = arith.constant dense<0.000000e+00> : vector<1024xf32>
    %reduce_sum3A_2 = vector.multi_reduction <add>, %get3A_1, %reduce_sum3A [0] : vector<32x1024xf32> to vector<1024xf32>
    %div3A = arith.constant 6.553600e+04 : f32
    %div3A_3 = vector.broadcast %div3A : f32 to vector<1024xf32>
    %div3A_4 = arith.divf %reduce_sum3A_2, %div3A_3 : vector<1024xf32>
    %add3A = arith.constant 1.000000e-10 : f32
    %add3A_5 = vector.broadcast %add3A : f32 to vector<1024xf32>
    %add3A_6 = arith.addf %div3A_4, %add3A_5 : vector<1024xf32>
    %log3A = math.log %add3A_6 : vector<1024xf32>
    %mul3A = arith.mulf %div3A_4, %log3A : vector<1024xf32>
    %reduce_sum3A_7 = vector.shape_cast %mul3A : vector<1024xf32> to vector<1x1024xf32>
    %reduce_sum3A_8 = arith.constant dense<0.000000e+00> : vector<1xf32>
    %reduce_sum3A_9 = vector.multi_reduction <add>, %reduce_sum3A_7, %reduce_sum3A_8 [1] : vector<1x1024xf32> to vector<1xf32>
    %reduce_sum3A_10 = vector.shape_cast %reduce_sum3A_9 : vector<1xf32> to vector<1x1xf32>
    %reduce_sum3A_11 = vector.extract %reduce_sum3A_10[0, 0] : f32 from vector<1x1xf32>
    %neg3A = arith.constant 0.000000e+00 : f32
    %neg3A_12 = arith.subf %neg3A, %reduce_sum3A_11 : f32
    %exp3A = math.exp %neg3A_12 : f32
    %broadcast_in_dim3A = vector.broadcast %exp3A : f32 to vector<1x1xf32>
    %swap3A = arith.constant 0 : index
    %swap3A_13 = arith.constant 0 : index
    %swap3A_14 = vector.load %arg3[%swap3A, %swap3A_13] : memref<1x1xf32, #tpu.memory_space<vmem>>, vector<1x1xf32>
    tpu.vector_store %arg3[%swap3A, %swap3A_13], %broadcast_in_dim3A {strides = array<i32>} : memref<1x1xf32, #tpu.memory_space<vmem>>, vector<1x1xf32>,
    %get3A_15 = arith.constant 0 : index
    %get3A_16 = arith.constant 0 : index
    %get3A_17 = vector.load %arg1[%get3A_15, %get3A_16] : memref<32x16xf32, #tpu.memory_space<vmem>>, vector<32x16xf32>
    %reduce_sum3A_18 = vector.shape_cast %get3A_17 : vector<32x16xf32> to vector<1x32x16xf32>
    %reduce_sum3A_19 = arith.constant dense<0.000000e+00> : vector<1xf32>
    %reduce_sum3A_20 = vector.multi_reduction <add>, %reduce_sum3A_18, %reduce_sum3A_19 [1, 2] : vector<1x32x16xf32> to vector<1xf32>
    %reduce_sum3A_21 = vector.shape_cast %reduce_sum3A_20 : vector<1xf32> to vector<1x1x1xf32>
    %reduce_sum3A_22 = vector.extract %reduce_sum3A_21[0, 0, 0] : f32 from vector<1x1x1xf32>
    %mul3A_23 = arith.constant 5.96046448E-7 : f32
    %mul3A_24 = arith.mulf %reduce_sum3A_22, %mul3A_23 : f32
    %broadcast_in_dim3A_25 = vector.broadcast %mul3A_24 : f32 to vector<1x1xf32>
    %swap3A_26 = arith.constant 0 : index
    %swap3A_27 = arith.constant 0 : index
    %swap3A_28 = vector.load %arg2[%swap3A_26, %swap3A_27] : memref<1x1xf32, #tpu.memory_space<vmem>>, vector<1x1xf32>
    tpu.vector_store %arg2[%swap3A_26, %swap3A_27], %broadcast_in_dim3A_25 {strides = array<i32>} : memref<1x1xf32, #tpu.memory_space<vmem>>, vector<1x1xf32>,
    return
  }
}

</mosaic_0001>

<sc_bundles>
// kernel: kernel.5.cloned.1.call-start
scs
__scs_entry_jumppad:
0x0: {  	(pc) =	sbr.rel $0x88, $3  }
0x1: {  	(tag) =	ssettag $0x0;
	lr =	simm.s32 $0x1  }
0x2: {  	[smem:$0x3F9F] =	sst lr;
	_ =	strace $0xD0000000  }
0x3: {  	_ = 	snop  }
0x4: {  	_ = 	snop  }
0x5: {  	_ = 	snop  }
0x6: {  	_ = 	snop  }
0x7: {  	_ = 	snop  }
__scs_overlays_trampoline_lowered:
0x8: {  	[smem:$0x3FAE] =	sst s0  }
0x9: {  	[smem:$0x3FAF] =	sst s1  }
0xa: {  	[smem:$0x3FB0] =	sst s2  }
0xb: {  	[smem:$0x3FB1] =	sst s3  }
0xc: {  	[smem:$0x3FB2] =	sst s4  }
0xd: {  	[smem:$0x3FB3] =	sst s5  }
0xe: {  	[smem:$0x3FB4] =	sst s6  }
0xf: {  	[smem:$0x3FB5] =	sst s7  }
0x10: {  	[smem:$0x3FB6] =	sst s8  }
0x11: {  	[smem:$0x3FB7] =	sst s9;
	s0 =	simm.s32 @!p0 $0x0  }
0x12: {  	s1 =	sld [smem:$0x3F9D];
	s0 =	simm.s32 @p0 $0x1  }
0x13: {  	[smem:$0x3FB8] =	sst s0;
	s0 =	simm.s32 @!p1 $0x0  }
0x14: {  	s2 =	sld [smem:$0x3F9C];
	s0 =	simm.s32 @p1 $0x1  }
0x15: {  	[smem:$0x3FB9] =	sst s0;
	s0 =	simm.s32 @!p2 $0x0  }
0x16: {  	s3 =	sld [smem:$0x3FDB];
	s0 =	simm.s32 @p2 $0x1  }
0x17: {  	s4 =	simm.s32 $0x1BF5;
	[smem:$0x3FBB] =	sst s0  }
0x18: {  	s0 =	sld [smem:$0x3F9E];
	_ =	swait.ge [sflag:s4], $0x0  }
0x19: {  	s7 =	sld [smem:$0x3F9F]  }
0x1a: {  	s8 =	sadd.s32 $0xFFFFE003, lr  }
0x1b: {  	s9 =	sadd.s32 $0xFFFFFEF7, lr;
	s5 =	simm.s32 $0xFFFFFFFF;
	p2 =	slt.u32 s8, $0xFFFFF086  }
0x1c: {  	p1 =	slt.u32 s9, $0xF7A;
	s5 =	simm.s32 @!p2 $0x0  }
0x1d: {  	s5 =	simm.s32 @p1 $0x1;
	p0 =	seq.s32 s7, s2  }
0x1e: {  	s7 =	smul.u32 @!p0 $0xF7A, s2;
	p2 =	seq.s32 @!p0 s5, $0x0  }
0x1f: {  	s9 =	smul.u32 $0xF7A, s1;
	s8 =	simm.s32 @!p0 $0x1BF5;
	p2 =	por !p2, p0  }
0x20: {  	[sflag:s8] =	ssyncset.s32 @!p0 $0xFFFFF086;
	s6 =	sadd.s32 @!p0 s3, s7;
	s7 =	simm.s32 @!p0 $0x108  }
0x21: {  	s3 =	sadd.s32 s3, s9;
	s6 =	sadd.s32 @!p0 $0x88, s6;
	s7 =	simm.s32 @p2 $0x1082  }
0x22: {  	[simem:s7], [sflag:s8] =	dma.local @!p0 [hbm:s6], $0xF7A  }
0x23: {  	s9 =	sor.u32 $0xD0000000, s2;
	s6 =	simm.s32 $0x108;
	_ =	swait.ge @!p0 [sflag:s8], $0x0  }
0x24: {  	s3 =	sadd.s32 $0x88, s3;
	s6 =	simm.s32 @!p1 $0x1082;
	[sflag:s4] =	ssyncset.s32 $0xFFFFF086  }
0x25: {  	[simem:s6], [sflag:s4] =	dma.local [hbm:s3], $0xF7A  }
0x26: {  	[smem:$0x3F9F] =	sst s1;
	(tag) =	ssettag s2;
	_ =	strace s9  }
0x27: {  	s1 =	sld [smem:$0x3FAF]  }
0x28: {  	s2 =	sld [smem:$0x3FB0]  }
0x29: {  	s4 =	sld [smem:$0x3FB2]  }
0x2a: {  	p0 =	seq.s32 s5, $0x0;
	s5 =	sld [smem:$0x3FB3]  }
0x2b: {  	s6 =	sld [smem:$0x3FB4]  }
0x2c: {  	s7 =	sld [smem:$0x3FB5]  }
0x2d: {  	s3 =	simm.s32 $0x108;
	s8 =	sld [smem:$0x3FB6]  }
0x2e: {  	s3 =	simm.s32 @!p0 $0x1082;
	s9 =	sld [smem:$0x3FB7]  }
0x2f: {  	lr =	sadd.s32 s0, s3;
	s0 =	sld [smem:$0x3FAE]  }
0x30: {  	s3 =	sld [smem:$0x3FB1]  }
0x31: {  	[smem:$0x3FBA] =	sst s10  }
0x32: {  	s10 =	sld [smem:$0x3FB8];
	_ =	sdelay $0x3  }
0x33: {  	p0 =	seq.s32 s10, $0x1;
	s10 =	sld [smem:$0x3FBA];
	_ =	sdelay $0x3  }
0x34: {  	[smem:$0x3FBA] =	sst s10  }
0x35: {  	s10 =	sld [smem:$0x3FB9];
	_ =	sdelay $0x3  }
0x36: {  	p1 =	seq.s32 s10, $0x1;
	s10 =	sld [smem:$0x3FBA];
	_ =	sdelay $0x3  }
0x37: {  	[smem:$0x3FBA] =	sst s10  }
0x38: {  	s10 =	sld [smem:$0x3FBB]  }
0x39: {  	_ = 	snop;
	(pc) =	sbr.ind lr, $3  }
0x3a: {  	_ = 	snop  }
0x3b: {  	_ = 	snop  }
0x3c: {  	p2 =	seq.s32 s10, $0x1;
	s10 =	sld [smem:$0x3FBA]  }
0x3d: {  	_ =	shalt  }
0x3e: {  	_ =	shalt  }
0x3f: {  	_ =	shalt  }
0x40: {  	_ =	shalt  }
0x41: {  	_ =	shalt  }
0x42: {  	_ =	shalt  }
0x43: {  	_ =	shalt  }
0x44: {  	_ =	shalt  }
0x45: {  	_ =	shalt  }
0x46: {  	_ =	shalt  }
0x47: {  	_ =	shalt  }
0x48: {  	_ =	shalt  }
0x49: {  	_ =	shalt  }
0x4a: {  	_ =	shalt  }
0x4b: {  	_ =	shalt  }
0x4c: {  	_ =	shalt  }
0x4d: {  	_ =	shalt  }
0x4e: {  	_ =	shalt  }
0x4f: {  	_ =	shalt  }
0x50: {  	_ =	shalt  }
0x51: {  	_ =	shalt  }
0x52: {  	_ =	shalt  }
0x53: {  	_ =	shalt  }
0x54: {  	_ =	shalt  }
0x55: {  	_ =	shalt  }
0x56: {  	_ =	shalt  }
0x57: {  	_ =	shalt  }
0x58: {  	_ =	shalt  }
0x59: {  	_ =	shalt  }
0x5a: {  	_ =	shalt  }
0x5b: {  	_ =	shalt  }
0x5c: {  	_ =	shalt  }
0x5d: {  	_ =	shalt  }
0x5e: {  	_ =	shalt  }
0x5f: {  	_ =	shalt  }
0x60: {  	_ =	shalt  }
0x61: {  	_ =	shalt  }
0x62: {  	_ =	shalt  }
0x63: {  	_ =	shalt  }
0x64: {  	_ =	shalt  }
0x65: {  	_ =	shalt  }
0x66: {  	_ =	shalt  }
0x67: {  	_ =	shalt  }
0x68: {  	_ =	shalt  }
0x69: {  	_ =	shalt  }
0x6a: {  	_ =	shalt  }
0x6b: {  	_ =	shalt  }
0x6c: {  	_ =	shalt  }
0x6d: {  	_ =	shalt  }
0x6e: {  	_ =	shalt  }
0x6f: {  	_ =	shalt  }
0x70: {  	_ =	shalt  }
0x71: {  	_ =	shalt  }
0x72: {  	_ =	shalt  }
0x73: {  	_ =	shalt  }
0x74: {  	_ =	shalt  }
0x75: {  	_ =	shalt  }
0x76: {  	_ =	shalt  }
0x77: {  	_ =	shalt  }
0x78: {  	_ =	shalt  }
0x79: {  	_ =	shalt  }
0x7a: {  	_ =	shalt  }
0x7b: {  	_ =	shalt  }
0x7c: {  	_ =	shalt  }
0x7d: {  	_ =	shalt  }
0x7e: {  	_ =	shalt  }
0x7f: {  	_ =	shalt  }
0x80: {  	_ =	shalt  }
0x81: {  	_ =	shalt  }
0x82: {  	_ =	shalt  }
0x83: {  	_ =	shalt  }
0x84: {  	_ =	shalt  }
0x85: {  	_ =	shalt  }
0x86: {  	_ =	shalt  }
0x87: {  	_ =	shalt  }
.Lfunc_end0:
.L_simem_size_0:
called_computation_lowered:
.L_overlay_start_0:
0x88: {  	s2 =	sld [smem:$0x3FD9]  }
0x89: {  	s3 =	sld [smem:$0x3FFE];
	_ =	sdelay $0x1  }
0x8a: {  	s1 =	srdreg.scid  }
0x8b: {  	s0 =	sand.u32 $0x1, s1  }
0x8c: {  	s14 =	sshll.u32 s0, $0xA;
	s2 =	sadd.s32 s3, s2  }
0x8d: {  	s2 =	sadd.s32 s2, s14  }
0x8e: {  	[smem:$0x3FC6] =	sst s2  }
0x8f: {  	_ = 	snop  }
0x90: {  	s2 =	sld [smem:$0x3FD0];
	_ =	sdelay $0x2  }
0x91: {  	s15 =	simm.s32 $0xA;
	s4 =	simm.s32 $0x10  }
0x92: {  	[smem:s4], [sflag:s15] =	dma.local [hbm:s2], $0x1  }
0x93: {  	_ =	swait.eq [sflag:s15], $0x1  }
0x94: {  	[sflag:s15] =	ssyncset.done $0x0  }
0x95: {  	[sflag:s15] =	ssyncadd.s32 $0xFFFFFFFF  }
0x96: {  	s16 =	sld [smem:$0x10];
	(tm) =	ssettm $0x1  }
0x97: {  	s17 =	sld [smem:$0x3FFB];
	_ =	sdelay $0x3  }
0x98: {  	_ =	strace s17  }
0x99: {  	s3 =	sld [smem:$0x3FFC];
	_ =	sdelay $0x3  }
0x9a: {  	_ =	strace s3  }
0x9b: {  	s3 =	sld [smem:$0x3FFD];
	_ =	sdelay $0x3  }
0x9c: {  	_ =	strace s3  }
0x9d: {  	_ =	strace $0x8FFFFFFF  }
0x9e: {  	s18 =	sld [smem:$0x3FDB];
	_ =	sdelay $0x1  }
0x9f: {  	s19 =	simm.s32 $_scs_section_size  }
0xa0: {  	s5 =	simm.s32 $_size__tile_overlayer_lowered;
	s6 =	simm.s32 $_tile_overlayer_lowered  }
0xa1: {  	s22 =	simm.s32 $0x1BFF;
	s21 =	sshll.u32 s6, $0x1;
	s3 =	sadd.s32 s19, s18  }
0xa2: {  	s7 =	simm.s32 $0x0;
	s20 =	sshll.u32 s5, $0x1;
	s5 =	sadd.s32 s21, s3  }
0xa3: {  	[timem:s7], [sflag:s22] =	dma.local [hbm:s5], s20  }
0xa4: {  	_ =	swait.ge [sflag:s22], s20  }
0xa5: {  	s4 =	ssub.s32 $0x0, s20;
	[sflag:s22] =	ssyncset.done $0x0  }
0xa6: {  	[sflag:s22] =	ssyncadd.s32 s4;
	_ =	sdelay $0x1  }
0xa7: {  	s23 =	simm.s32 $0x1B8B  }
0xa8: {  	_ =	swait.ge [sflag:s23], $0x1  }
0xa9: {  	[sflag:s23] =	ssyncset.done $0x0  }
0xaa: {  	s25 =	simm.s32 $0x1B8E;
	s24 =	sld [smem:$0x3FFE];
	[sflag:s23] =	ssyncadd.s32 $0xFFFFFFFF  }
0xab: {  	s26 =	simm.s32 $execute0_lowered;
	[smem:$0x3FD2] =	sst s25  }
0xac: {  	s5 =	sshll.u32 s26, $0x1;
	_ =	strace $0x80000046;
	[dreg:$0x1] =	wrdreg $0xFFFFFFFF  }
0xad: {  	s28 =	simm.s32 $_size_execute0_lowered;
	s3 =	sadd.s32 s3, s5;
	[dreg:$0x0] =	wrdreg $0x0  }
0xae: {  	s5 =	sshll.u32 s28, $0x1;
	[dreg:$0x2] =	wrdreg s3  }
0xaf: {  	[dreg:$0x3] =	wrdreg s5  }
0xb0: {  	[dreg:$0x4] =	wrdreg $0xC0  }
0xb1: {  	_ =	task [dreg:s7], $0x5FFFF  }
0xb2: {  	[dreg:$0x1] =	wrdreg $0xFFFFFFFF  }
0xb3: {  	[dreg:$0x0] =	wrdreg $0x60  }
0xb4: {  	[dreg:$0x2] =	wrdreg s24  }
0xb5: {  	[dreg:$0x3] =	wrdreg s16  }
0xb6: {  	[dreg:$0x4] =	wrdreg $0x9  }
0xb7: {  	_ =	task.clear_ibuf [dreg:s7], $0x5FFFF;
	_ =	strace $0x90000046  }
0xb8: {  	s29 =	simm.s32 $0x9;
	_ =	strace $0x80000048  }
0xb9: {  	_ =	swait.ge [sflag:s29], $0x1  }
0xba: {  	[sflag:s29] =	ssyncadd.s32 $0xFFFFFFFF  }
0xbb: {  	_ =	strace $0x90000048  }
0xbc: {  	_ =	sfence  }
0xbd: {  	s30 =	sld [smem:$0x0];
	_ =	sdelay $0x2  }
0xbe: {  	s31 =	sshll.u32 s1, $0xD;
	s1 =	sshrl.u32 s1, $0x2  }
0xbf: {  	s3 =	sand.u32 $0x4000, s31;
	s1 =	sadd.s32 s1, s30  }
0xc0: {  	s0 =	sor.u32 s3, s0;
	s1 =	sshll.u32 s1, $0x11  }
0xc1: {  	s0 =	sor.u32 s1, s0  }
0xc2: {  	s0 =	sadd.s32 $0x8F2B, s0  }
0xc3: {  	[sflag:s0] =	ssyncadd.remote.s32 $0x1  }
0xc4: {  	_ =	sfence.sel $0xFFFF  }
0xc5: {  	[dreg:$0x0] =	wrdreg $0xFFFFFFFF;
	(pc) =	sbr.abs _section_cstart, $3  }
0xc6: {  	[dreg:$0x1] =	wrdreg $0xFFFFFFFF  }
0xc7: {  	_ =	task.clear_ibuf [dreg:s7], $0x2FFFF;
	_ =	strace $0x9FFFFFFF  }
0xc8: {  	(tm) =	ssettm $0x7FFFFFFF  }
0xc9: {  	_ =	shalt  }
tec
execute0_lowered:
.L_overlay_start_1:
0x0: {  	(tag) =	ssettag $0x1  }
0x1: {  	s6 =	rddreg [dreg:$0x0];
	s1 =	srdreg.scid  }
0x2: {  	s0 =	stileid.u32;
	s2 =	rddreg [dreg:$0x1];
	s3 =	simm.s32 $0x0  }
0x3: {  	s12 =	simm.s32 $0x8800;
	s13 =	simm.s32 $0xC800;
	s14 =	simm.s32 $0x800  }
0x4: {  	s15 =	simm.s32 $0x1;
	s16 =	simm.s32 $0x10800;
	s17 =	simm.s32 $0x0  }
0x5: {  	s7 =	sand.u32 $0x1, s1;
	s4 =	sshll.u32 s0, $0x1;
	[smem:$0x7FF] =	sst s3  }
0x6: {  	s1 =	rddreg [dreg:$0x2];
	s8 =	sor.u32 s7, s4;
	_ =	strace $0x80000047  }
0x7: {  	s4 =	sadd.s32 $0xA00, s6;
	s7 =	ssub.s32 $0x2, s7;
	s5 =	sshll.u32 s8, $0x8  }
0x8: {  	s10 =	sshll.u32 s8, $0x4;
	s11 =	sshrl.u32 s7, $0x1;
	s9 =	sadd.s32 s5, s6  }
0x9: {  	s5 =	sadd.s32 $0x202A00, s6;
	s10 =	sadd.s32 s10, s6;
	s31 =	ssub.s32 s7, s11  }
0xa: {  	s7 =	sshll.u32 s8, $0xF;
	s11 =	simm.s32 $0x80;
	s6 =	sadd.s32 $0x200A00, s9  }
0xb: {  	s8 =	sadd.s32 $0x302A00, s10;
	s9 =	smax.u32 s31, $0x1;
	s10 =	simm.s32 $0x2  }
.LBB2_1:
0xc: {  	[tilespmem:s3], [sflag:$0x2] =	stream.linear.gather [hbm4b:s6+s3], $0x800, $0x38;
	[tilespmem:$0x10880] =	vst v63  }
0xd: {  	_ =	swait.ge [sflag:s10], $0x800  }
0xe: {  	[sflag:s10] =	ssyncset.done $0x0  }
0xf: {  	v0 =	vimm.f32 $0.0e+00;
	s18 =	simm.s32 $0x0;
	[sflag:s10] =	ssyncadd.s32 $0xFFFFF800  }
.LBB2_2:
0x10: {  	s19 =	sshll.u32 s18, $0x8  }
0x11: {  	s19 =	sand.u32 $0x3FFFFF00, s19  }
0x12: {  	[tilespmem:s12], [sflag:$0x1] =	stream.indirect.gather [hbm4b:s2+s11], $0x80, s19, s11, $0xb8;
	[tilespmem:$0x10880] =	vst v63  }
0x13: {  	s31 =	sshll.u32 s18, $0xC;
	s19 =	sor.u32 $0x80, s19  }
0x14: {  	[tilespmem:s13], [sflag:$0x1] =	stream.indirect.gather [hbm4b:s2+s11], $0x80, s19, s11, $0xb8;
	[tilespmem:$0x10880] =	vst v63  }
0x15: {  	s19 =	sadd.s32 s7, s31  }
0x16: {  	s21 =	simm.s32 $0x0;
	s20 =	sadd.s32 s4, s19  }
0x17: {  	[tilespmem:s14], [sflag:$0x2] =	stream.linear.gather [hbm4b:s20+s21], $0x8000, $0x38;
	[tilespmem:$0x10880] =	vst v63  }
0x18: {  	_ =	swait.ge [sflag:s10], $0x8000  }
0x19: {  	[sflag:s10] =	ssyncset.done $0x0  }
0x1a: {  	[sflag:s10] =	ssyncadd.s32 $0xFFFF8000  }
0x1b: {  	_ =	swait.ge [sflag:s15], $0x4000  }
0x1c: {  	[sflag:s15] =	ssyncset.done $0x0  }
0x1d: {  	[sflag:s15] =	ssyncadd.s32 $0xFFFFC000  }
0x1e: {  	_ =	swait.ge [sflag:s15], $0x4000  }
0x1f: {  	[sflag:s15] =	ssyncset.done $0x0  }
0x20: {  	s20 =	simm.s32 $0x0;
	[sflag:s15] =	ssyncadd.s32 $0xFFFFC000  }
0x21: {  	v2 =	vld [tilespmem:s20+$0x8800]  }
0x22: {  	v6 =	vld [tilespmem:s20+$0x8810];
	_ =	sdelay $0x3  }
0x23: {  	v4 =	vmul.f32 $6.553700000e+04, v2  }
0x24: {  	v1 =	vld [tilespmem:s20+$0x800];
	v3 =	vmul.f32 $6.553700000e+04, v6  }
0x25: {  	v5 =	vsub.f32 v4, v2;
	v2 =	vld [tilespmem:s20+$0x810]  }
0x26: {  	s22 =	simm.s32 $0x400;
	s21 =	simm.s32 $0x200;
	v6 =	vsub.f32 v3, v6  }
.LBB2_3:
0x27: {  	p0 =	sne.s32 s22, $0x1FE00;
	s23 =	sshra.s32 s21, $0x2;
	v4 =	vsub.f32 v4, v5;
	s21 =	smov.u32 s22  }
0x28: {  	v5 =	vld [tilespmem:s23+$0x8800];
	v3 =	vsub.f32 v3, v6  }
0x29: {  	v6 =	vld [tilespmem:s23+$0x8810];
	v4 =	vsub.f32 v4, v1  }
0x2a: {  	v3 =	vsub.f32 v3, v2  }
0x2b: {  	v1 =	vadd.f32 v4, v1;
	v7 =	vmul.f32 v4, v4  }
.Ltmp0:
0x2c: {  	v2 =	vadd.f32 v3, v2;
	v8 =	vmul.f32 v3, v3;
	(pc) =	sbr.rel @p0 .LBB2_3-.Ltmp0, $4  }
0x2d: {  	v4 =	vmul.f32 $6.553700000e+04, v5;
	[tilespmem:s20+$0x800] =	vst v1;
	v0 =	vadd.f32 v7, v0  }
0x2e: {  	v1 =	vld [tilespmem:s23+$0x800];
	v3 =	vmul.f32 $6.553700000e+04, v6;
	[tilespmem:s20+$0x810] =	vst v2;
	s20 =	smov.u32 s23  }
0x2f: {  	v5 =	vsub.f32 v4, v5;
	v2 =	vld [tilespmem:s20+$0x810];
	v0 =	vadd.f32 v8, v0  }
0x30: {  	s22 =	sadd.s32 $0x200, s22;
	v6 =	vsub.f32 v3, v6  }
0x31: {  	v4 =	vsub.f32 v4, v5;
	s21 =	sshra.s32 s21, $0x2  }
0x32: {  	v59 =	vld [tilespmem:s21+$0x8800];
	v3 =	vsub.f32 v3, v6  }
0x33: {  	v60 =	vld [tilespmem:s21+$0x8810];
	v4 =	vsub.f32 v4, v1  }
0x34: {  	v3 =	vsub.f32 v3, v2  }
0x35: {  	v1 =	vadd.f32 v4, v1  }
0x36: {  	v2 =	vadd.f32 v3, v2  }
0x37: {  	[tilespmem:s20+$0x800] =	vst v1;
	v1 =	vmul.f32 $6.553700000e+04, v59  }
0x38: {  	v8 =	vmul.f32 $6.553700000e+04, v60;
	v7 =	vld [tilespmem:s21+$0x800];
	[tilespmem:s20+$0x810] =	vst v2  }
0x39: {  	v2 =	vsub.f32 v1, v59;
	v61 =	vld [tilespmem:s21+$0x810]  }
0x3a: {  	v6 =	vsub.f32 v8, v60  }
0x3b: {  	v1 =	vsub.f32 v1, v2  }
0x3c: {  	v2 =	vsub.f32 v8, v6  }
0x3d: {  	v1 =	vsub.f32 v1, v7  }
0x3e: {  	v4 =	vmul.f32 v4, v4;
	v2 =	vsub.f32 v2, v61  }
0x3f: {  	v62 =	vadd.f32 v1, v7  }
0x40: {  	s18 =	sadd.s32 $0x1, s18;
	v3 =	vmul.f32 v3, v3;
	v0 =	vadd.f32 v4, v0;
	v63 =	vadd.f32 v2, v61  }
0x41: {  	p0 =	sne.s32 s18, $0x8;
	[tilespmem:s21+$0x800] =	vst v62  }
.Ltmp1:
0x42: {  	s19 =	sadd.s32 s5, s19;
	v0 =	vadd.f32 v3, v0;
	v1 =	vmul.f32 v1, v1;
	[tilespmem:s21+$0x810] =	vst v63;
	(pc) =	sbr.rel @p0 .LBB2_2-.Ltmp1, $4  }
0x43: {  	[hbm4b:s19+s3] =	stream.linear.scatter [tilespmem:s14], [sflag:$0x2], $0x8000, $0x38;
	[tilespmem:$0x10880] =	vst v63  }
0x44: {  	v2 =	vmul.f32 v2, v2;
	v0 =	vadd.f32 v1, v0;
	_ =	swait.ge [sflag:s10], $0x8000  }
0x45: {  	[sflag:s10] =	ssyncset.done $0x0  }
0x46: {  	v0 =	vadd.f32 v2, v0;
	[sflag:s10] =	ssyncadd.s32 $0xFFFF8000  }
0x47: {  	s17 =	sadd.s32 $0x1, s17  }
0x48: {  	p0 =	sne.s32 s17, s9  }
.Ltmp2:
0x49: {  	[tilespmem:$0x10800] =	vst v0;
	(pc) =	sbr.rel @p0 .LBB2_1-.Ltmp2, $4  }
0x4a: {  	[hbm4b:s8+s3] =	stream.linear.scatter [tilespmem:s16], [sflag:$0x2], $0x80, $0x38;
	[tilespmem:$0x10880] =	vst v63  }
0x4b: {  	_ =	swait.ge [sflag:s10], $0x80  }
0x4c: {  	[sflag:s10] =	ssyncset.done $0x0  }
0x4d: {  	[sflag:s10] =	ssyncadd.s32 $0xFFFFFF80  }
0x4e: {  	_ =	sfence.sel $0x180000  }
0x4f: {  	[bflag:$0x0] =	sbarrier.arrive $0xFFFF  }
0x50: {  	p0 =	sne.s32 s0, $0x0;
	_ =	strace $0x90000047  }
0x51: {  	s0 =	sadd.s32 @!p0 $0x100000, s1;
	[bflag:$0x2] =	sbarrier.arrive $0xFFFF  }
0x52: {  	[sflag:s0] =	ssyncadd.tile.s32 @!p0 $0x1;
	_ =	shalt  }
.Lfunc_end2:
_tile_overlayer_lowered:
.L_overlay_start_2:
0x53: {  	(tag) =	ssettag $0x2  }
0x54: {  	s0 =	rddreg [dreg:$0x0];
	s2 =	stileid.u32  }
0x55: {  	s1 =	rddreg [dreg:$0x1];
	p0 =	sne.s32 s2, $0x0  }
0x56: {  	s3 =	rddreg [dreg:$0x2];
	[bflag:$0x3] =	sbarrier.arrive $0xFFFF;
	s2 =	simm.s32 @!p0 $0x1C02  }
0x57: {  	[timem:s3], [sflag:s2] =	dma.local @!p0 [hbm:s0], s1  }
0x58: {  	s0 =	simm.s32 @!p0 $0x2  }
0x59: {  	_ =	swait.ge @!p0 [sflag:s0], s1  }
0x5a: {  	s1 =	ssub.s32 @!p0 $0x0, s1;
	[sflag:s0] =	ssyncset.done @!p0 $0x0  }
0x5b: {  	[sflag:s0] =	ssyncadd.s32 @!p0 s1  }
0x5c: {  	[bflag:$0x3] =	sbarrier.arrive $0xFFFF  }
0x5d: {  	_ =	shalt  }

</sc_bundles>
